<compile_context>
chip_gen: v7x
topology: tpu7x:2x2x1
jax: 0.10.2.dev20260603
libtpu: 0.0.44.dev20260713+nightly
codegen_flags: <defaults>
</compile_context>

<pallas_src>
import functools

import jax
import jax.numpy as jnp
from jax import lax
from jax.experimental import pallas as pl
from jax.experimental.pallas import tpu as pltpu
from jax.experimental.pallas import tpu_sc as plsc

_NC = 2
_NS = 16
_NW = _NC * _NS


def _tc_pair(table_t, c_blk):
    d, v = table_t.shape
    grid = (v // c_blk)

    def body(x_ref, o_ref):
        xt = x_ref[...].T
        r = xt.reshape(c_blk // 2, 2, d)
        o_ref[...] = jnp.concatenate([r[:, 0, :], r[:, 1, :]], axis=1)

    return pl.pallas_call(
        body,
        grid=(grid,),
        in_specs=[pl.BlockSpec((d, c_blk), lambda i: (0, i))],
        out_specs=pl.BlockSpec((c_blk // 2, 2 * d), lambda i: (i, 0)),
        out_shape=jax.ShapeDtypeStruct((v // 2, 2 * d), jnp.float32),
        compiler_params=pltpu.CompilerParams(
            dimension_semantics=("arbitrary",),
            vmem_limit_bytes=100 * 1024 * 1024),
    )(table_t)


def _tc_patch_tail(pairs, tail):
    n, w = pairs.shape
    t = tail.shape[0]

    def body(big_ref, tail_ref, o_ref):
        o_ref[...] = tail_ref[...]

    return pl.pallas_call(
        body,
        grid=(1,),
        in_specs=[
            pl.BlockSpec(memory_space=pl.ANY),
            pl.BlockSpec((t, w), lambda i: (0, 0)),
        ],
        out_specs=pl.BlockSpec((t, w), lambda i: (n // t - 1, 0)),
        out_shape=jax.ShapeDtypeStruct((n, w), pairs.dtype),
        input_output_aliases={0: 0},
    )(pairs, tail)


def _sc_gather(table, idx_flat):
    n_rows = idx_flat.shape[0]
    d = table.shape[1]
    per_w = n_rows // _NW
    ch = 128
    n_ch = per_w // ch
    assert per_w % ch == 0 and n_ch % 2 == 0

    mesh = plsc.VectorSubcoreMesh(core_axis_name="c", subcore_axis_name="s")

    dt = table.dtype

    @functools.partial(
        pl.kernel,
        out_type=jax.ShapeDtypeStruct((n_rows, d), dt),
        mesh=mesh,
        scratch_types=[
            pltpu.VMEM((per_w,), jnp.int32),
            pltpu.VMEM((ch, d), dt),
            pltpu.VMEM((ch, d), dt),
            pltpu.SemaphoreType.DMA,
            pltpu.SemaphoreType.DMA,
            pltpu.SemaphoreType.DMA,
            pltpu.SemaphoreType.DMA,
        ],
        compiler_params=pltpu.CompilerParams(use_tc_tiling_on_sc=False),
    )
    def gather_kernel(table_hbm, idx_hbm, out_hbm, idx_v, buf0, buf1,
                      gsem0, gsem1, osem0, osem1):
        wid = lax.axis_index("s") * _NC + lax.axis_index("c")
        base = wid * per_w
        pltpu.sync_copy(idx_hbm.at[pl.ds(base, per_w)], idx_v)

        def start_gather(i, buf, sem):
            pltpu.async_copy(
                table_hbm.at[idx_v.at[pl.ds(i * ch, ch)]], buf, sem)

        def wait_gather(buf, sem):
            pltpu.make_async_copy(
                table_hbm.at[idx_v.at[pl.ds(0, ch)]], buf, sem).wait()

        def start_out(i, buf, sem):
            pltpu.async_copy(buf, out_hbm.at[pl.ds(base + i * ch, ch)], sem)

        def wait_out(buf, sem):
            pltpu.make_async_copy(
                buf, out_hbm.at[pl.ds(base, ch)], sem).wait()

        start_gather(0, buf0, gsem0)

        @pl.loop(0, n_ch, step=2)
        def _(i):
            @pl.when(i > 0)
            def _():
                wait_out(buf1, osem1)
            wait_gather(buf0, gsem0)
            start_out(i, buf0, osem0)
            start_gather(i + 1, buf1, gsem1)
            wait_gather(buf1, gsem1)
            start_out(i + 1, buf1, osem1)

            @pl.when(i + 2 < n_ch)
            def _():
                wait_out(buf0, osem0)
                start_gather(i + 2, buf0, gsem0)

        wait_out(buf0, osem0)
        wait_out(buf1, osem1)

    return gather_kernel(table, idx_flat)


def _tc_dense(tok2, vis2d, pos_tiled, w_t, gamma, beta, blk):
    n_rows, vdim = vis2d.shape
    d = w_t.shape[1]
    grid = n_rows // blk

    def body(tok_ref, vis_ref, pos_ref, w_ref, g_ref, b_ref, out_ref):
        proj = jnp.dot(vis_ref[...], w_ref[...],
                       preferred_element_type=jnp.float32)
        emb = tok_ref[...] + pos_ref[...] + proj
        mean = jnp.mean(emb, axis=1, keepdims=True)
        cent = emb - mean
        var = jnp.mean(cent * cent, axis=1, keepdims=True)
        normed = cent * lax.rsqrt(var + 1e-6)
        out_ref[...] = normed * g_ref[...] + b_ref[...]

    return pl.pallas_call(
        body,
        grid=(grid,),
        in_specs=[
            pl.BlockSpec((blk, d), lambda i: (i, 0)),
            pl.BlockSpec((blk, vdim), lambda i: (i, 0)),
            pl.BlockSpec((blk, d), lambda i: (0, 0)),
            pl.BlockSpec((vdim, d), lambda i: (0, 0)),
            pl.BlockSpec((1, d), lambda i: (0, 0)),
            pl.BlockSpec((1, d), lambda i: (0, 0)),
        ],
        out_specs=pl.BlockSpec((blk, d), lambda i: (i, 0)),
        out_shape=jax.ShapeDtypeStruct((n_rows, d), jnp.float32),
        compiler_params=pltpu.CompilerParams(
            dimension_semantics=("arbitrary",),
            vmem_limit_bytes=100 * 1024 * 1024),
    )(tok2, vis2d, pos_tiled, w_t, gamma, beta)


def kernel(seq, visual_features, token_table, pos_table, W_visual,
           ln_gamma, ln_beta):
    b, t = seq.shape
    v, d = token_table.shape
    n = b * t
    idx_flat = seq.reshape(n).astype(jnp.int32)

    c_blk = 15872
    pairs = _tc_pair(token_table.T, c_blk)
    rem = v - (v // c_blk) * c_blk
    if rem:
        tail = token_table[v - rem:, :].reshape(rem // 2, 2 * d)
        pairs = _tc_patch_tail(pairs, tail)

    table_lin = pairs.reshape(v, d)
    tok = _sc_gather(table_lin, idx_flat)

    vis2d = visual_features.reshape(n, -1)
    blk = 1600
    pos_tiled = jnp.tile(pos_table[:t], (blk // t, 1))
    out2d = _tc_dense(tok, vis2d, pos_tiled, W_visual.T,
                      ln_gamma.reshape(1, d), ln_beta.reshape(1, d), blk)
    return out2d.reshape(b, t, d)

# --- scband reference (transcript-rebuilt; emitter-appended) ---
"""Pipeline reference for scband-bertembeddings-31653908971922 (READ-ONLY COPY).

The authoritative reference and input builder live on the scoring server;
editing this copy changes nothing except your own understanding.
"""

import jax, jax.numpy as jnp
import numpy as np

VOCAB = 1000000
D = 64
MAXLEN = 200
VDIM = 128
B = 1024
T = 200


def setup_inputs(seed: int = 0) -> dict:
    key = jax.random.key(seed)
    k1, k2, k3, k4, k5 = jax.random.split(key, 5)
    seq = jax.random.randint(k1, (B, T), 0, VOCAB)
    visual_features = jax.random.normal(k2, (B, T, VDIM), dtype=jnp.float32)
    token_table = jax.random.normal(k3, (VOCAB, D), dtype=jnp.float32) * 0.02
    token_table = token_table.at[0].set(0.0)  # padding_idx=0
    pos_table = jax.random.normal(k4, (MAXLEN, D), dtype=jnp.float32) * 0.02
    W_visual = jax.random.normal(k5, (D, VDIM), dtype=jnp.float32) * 0.05
    ln_gamma = jnp.ones((D,), dtype=jnp.float32)
    ln_beta = jnp.zeros((D,), dtype=jnp.float32)
    return {"seq": seq, "visual_features": visual_features, "token_table": token_table, "pos_table": pos_table, "W_visual": W_visual, "ln_gamma": ln_gamma, "ln_beta": ln_beta}


def reference(seq, visual_features, token_table, pos_table, W_visual, ln_gamma, ln_beta):
    batch_size, seq_length = seq.shape
    position_ids = jnp.arange(seq_length)
    token_embeddings = jnp.take(token_table, seq, axis=0)
    positional_embeddings = jnp.take(pos_table, position_ids, axis=0)[None, :, :]
    embeddings = token_embeddings + positional_embeddings
    visual_embeddings = visual_features @ W_visual.T
    embeddings = embeddings + visual_embeddings
    mean = jnp.mean(embeddings, axis=-1, keepdims=True)
    var = jnp.mean(jnp.square(embeddings - mean), axis=-1, keepdims=True)
    normed = (embeddings - mean) / jnp.sqrt(var + 1e-06)
    out = normed * ln_gamma + ln_beta
    return out

if __name__ == "__main__":
    import jax
    _d = setup_inputs()
    print(jax.jit(kernel)(*tuple(_d.values())))

</pallas_src>

<mosaic_0001>
#map = affine_map<(d0, d1) -> (0, 0)>
#map1 = affine_map<(d0, d1) -> (0)>
module attributes {stable_mosaic.version = 14 : i64} {
  func.func @gather_kernel(%arg0: i32, %arg1: i32, %arg2: memref<1000000x64xf32, #tpu.memory_space<hbm>>, %arg3: memref<204800xi32, #tpu.memory_space<hbm>>, %arg4: memref<204800x64xf32, #tpu.memory_space<hbm>>, %arg5: memref<6400xi32, #tpu.memory_space<vmem>>, %arg6: memref<128x64xf32, #tpu.memory_space<vmem>>, %arg7: memref<128x64xf32, #tpu.memory_space<vmem>>, %arg8: memref<!tpu.dma_semaphore, #tpu.memory_space<semaphore_mem>>, %arg9: memref<!tpu.dma_semaphore, #tpu.memory_space<semaphore_mem>>, %arg10: memref<!tpu.dma_semaphore, #tpu.memory_space<semaphore_mem>>, %arg11: memref<!tpu.dma_semaphore, #tpu.memory_space<semaphore_mem>>) attributes {dimension_semantics = [#tpu.dimension_semantics<core_parallel>, #tpu.dimension_semantics<subcore_parallel>], iteration_bounds = array<i64: 2, 16>, scalar_prefetch = 0 : i64, scratch_operands = 7 : i64, tpu.core_type = #tpu.core_type<sc_vector_subcore>, window_params = [{transform_indices = #map}, {transform_indices = #map1}, {transform_indices = #map}]} {
    %mul3A = arith.constant 2 : i32
    %mul3A_0 = arith.muli %arg1, %mul3A : i32
    %add3A = arith.addi %mul3A_0, %arg0 : i32
    %mul3A_1 = arith.constant 6400 : i32
    %mul3A_2 = arith.muli %add3A, %mul3A_1 : i32
    "tpu.region"() ({
      %run_scoped3A = tpu.sem_alloc : memref<!tpu.dma_semaphore, #tpu.memory_space<semaphore_mem>>
      %dma_start3A_18 = tpu.memref_slice %arg3[%mul3A_2] : memref<204800xi32, #tpu.memory_space<hbm>> -> memref<6400xi32, #tpu.memory_space<hbm>>
      %dma_start3A_19 = tpu.memref_slice %arg3[%mul3A_2] : memref<204800xi32, #tpu.memory_space<hbm>> -> memref<6400xi32, #tpu.memory_space<hbm>>
      tpu.enqueue_dma source(%dma_start3A_19 : memref<6400xi32, #tpu.memory_space<hbm>>) target(%arg5 : memref<6400xi32, #tpu.memory_space<vmem>>) target_semaphore(%run_scoped3A : memref<!tpu.dma_semaphore, #tpu.memory_space<semaphore_mem>>)
      %dma_wait3A_20 = tpu.memref_slice %arg3[%mul3A_2] : memref<204800xi32, #tpu.memory_space<hbm>> -> memref<6400xi32, #tpu.memory_space<hbm>>
      %dma_wait3A_21 = tpu.memref_slice %arg3[%mul3A_2] : memref<204800xi32, #tpu.memory_space<hbm>> -> memref<6400xi32, #tpu.memory_space<hbm>>
      tpu.wait_dma2 semaphore(%run_scoped3A : memref<!tpu.dma_semaphore, #tpu.memory_space<semaphore_mem>>) src(%dma_wait3A_21 : memref<6400xi32, #tpu.memory_space<hbm>>) dst(%arg5 : memref<6400xi32, #tpu.memory_space<vmem>>)
      tpu.yield
    }) : () -> ()
    %dma_start3A = arith.constant 0 : i32
    %dma_start3A_3 = tpu.memref_slice %arg5[%dma_start3A] : memref<6400xi32, #tpu.memory_space<vmem>> -> memref<128xi32, #tpu.memory_space<vmem>>
    %dma_start3A_4 = arith.constant 0 : i32
    %dma_start3A_5 = arith.constant 0 : i32
    %dma_start3A_6 = tpu.memref_slice %arg2[%dma_start3A_4, %dma_start3A_5] : memref<1000000x64xf32, #tpu.memory_space<hbm>> -> memref<1000000x64xf32, #tpu.memory_space<hbm>>
    tpu.enqueue_indirect_dma source(%dma_start3A_6 : memref<1000000x64xf32, #tpu.memory_space<hbm>>) target(%arg6 : memref<128x64xf32, #tpu.memory_space<vmem>>) offsets(%dma_start3A_3 : memref<128xi32, #tpu.memory_space<vmem>>) semaphore(%arg8 : memref<!tpu.dma_semaphore, #tpu.memory_space<semaphore_mem>>)
    %scan3A = arith.constant 0 : i32
    %scan3A_7 = arith.constant 25 : i32
    %scan3A_8 = arith.addi %scan3A, %scan3A_7 : i32
    %scan3A_9 = arith.constant 1 : i32
    scf.for %scan3A_18 = %scan3A to %scan3A_8 step %scan3A_9  : i32 {
      %mul3A_19 = arith.constant 2 : i32
      %mul3A_20 = arith.muli %scan3A_18, %mul3A_19 : i32
      %add3A_21 = arith.constant 0 : i32
      %add3A_22 = arith.addi %add3A_21, %mul3A_20 : i32
      %gt3A = arith.constant 0 : i32
      %gt3A_23 = arith.cmpi sgt, %add3A_22, %gt3A : i32
      %convert_element_type3A = arith.extui %gt3A_23 : i1 to i32
      %cond3A = arith.constant 0 : i32
      %cond3A_24 = arith.cmpi ne, %convert_element_type3A, %cond3A : i32
      scf.if %cond3A_24 {
        %dma_wait3A_65 = arith.constant 0 : i32
        %dma_wait3A_66 = tpu.memref_slice %arg4[%mul3A_2, %dma_wait3A_65] : memref<204800x64xf32, #tpu.memory_space<hbm>> -> memref<128x64xf32, #tpu.memory_space<hbm>>
        %dma_wait3A_67 = arith.constant 0 : i32
        %dma_wait3A_68 = tpu.memref_slice %arg4[%mul3A_2, %dma_wait3A_67] : memref<204800x64xf32, #tpu.memory_space<hbm>> -> memref<128x64xf32, #tpu.memory_space<hbm>>
        tpu.wait_dma2 semaphore(%arg11 : memref<!tpu.dma_semaphore, #tpu.memory_space<semaphore_mem>>) src(%arg7 : memref<128x64xf32, #tpu.memory_space<vmem>>) dst(%dma_wait3A_68 : memref<128x64xf32, #tpu.memory_space<hbm>>)
      } else {
      }
      %dma_wait3A_25 = arith.constant 0 : i32
      %dma_wait3A_26 = tpu.memref_slice %arg5[%dma_wait3A_25] : memref<6400xi32, #tpu.memory_space<vmem>> -> memref<128xi32, #tpu.memory_space<vmem>>
      %dma_wait3A_27 = arith.constant 0 : i32
      %dma_wait3A_28 = arith.constant 0 : i32
      %dma_wait3A_29 = tpu.memref_slice %arg2[%dma_wait3A_27, %dma_wait3A_28] : memref<1000000x64xf32, #tpu.memory_space<hbm>> -> memref<1000000x64xf32, #tpu.memory_space<hbm>>
      tpu.wait_indirect_dma semaphore(%arg8 : memref<!tpu.dma_semaphore, #tpu.memory_space<semaphore_mem>>) src(%dma_wait3A_29 : memref<1000000x64xf32, #tpu.memory_space<hbm>>) dst(%arg6 : memref<128x64xf32, #tpu.memory_space<vmem>>)
      %mul3A_30 = arith.constant 128 : i32
      %mul3A_31 = arith.muli %add3A_22, %mul3A_30 : i32
      %add3A_32 = arith.addi %mul3A_2, %mul3A_31 : i32
      %dma_start3A_33 = arith.constant 0 : i32
      %dma_start3A_34 = tpu.memref_slice %arg4[%add3A_32, %dma_start3A_33] : memref<204800x64xf32, #tpu.memory_space<hbm>> -> memref<128x64xf32, #tpu.memory_space<hbm>>
      %dma_start3A_35 = arith.constant 0 : i32
      %dma_start3A_36 = tpu.memref_slice %arg4[%add3A_32, %dma_start3A_35] : memref<204800x64xf32, #tpu.memory_space<hbm>> -> memref<128x64xf32, #tpu.memory_space<hbm>>
      tpu.enqueue_dma source(%arg6 : memref<128x64xf32, #tpu.memory_space<vmem>>) target(%dma_start3A_36 : memref<128x64xf32, #tpu.memory_space<hbm>>) target_semaphore(%arg10 : memref<!tpu.dma_semaphore, #tpu.memory_space<semaphore_mem>>)
      %add3A_37 = arith.constant 1 : i32
      %add3A_38 = arith.addi %add3A_22, %add3A_37 : i32
      %mul3A_39 = arith.constant 128 : i32
      %mul3A_40 = arith.muli %add3A_38, %mul3A_39 : i32
      %dma_start3A_41 = tpu.memref_slice %arg5[%mul3A_40] : memref<6400xi32, #tpu.memory_space<vmem>> -> memref<128xi32, #tpu.memory_space<vmem>>
      %dma_start3A_42 = arith.constant 0 : i32
      %dma_start3A_43 = arith.constant 0 : i32
      %dma_start3A_44 = tpu.memref_slice %arg2[%dma_start3A_42, %dma_start3A_43] : memref<1000000x64xf32, #tpu.memory_space<hbm>> -> memref<1000000x64xf32, #tpu.memory_space<hbm>>
      tpu.enqueue_indirect_dma source(%dma_start3A_44 : memref<1000000x64xf32, #tpu.memory_space<hbm>>) target(%arg7 : memref<128x64xf32, #tpu.memory_space<vmem>>) offsets(%dma_start3A_41 : memref<128xi32, #tpu.memory_space<vmem>>) semaphore(%arg9 : memref<!tpu.dma_semaphore, #tpu.memory_space<semaphore_mem>>)
      %dma_wait3A_45 = arith.constant 0 : i32
      %dma_wait3A_46 = tpu.memref_slice %arg5[%dma_wait3A_45] : memref<6400xi32, #tpu.memory_space<vmem>> -> memref<128xi32, #tpu.memory_space<vmem>>
      %dma_wait3A_47 = arith.constant 0 : i32
      %dma_wait3A_48 = arith.constant 0 : i32
      %dma_wait3A_49 = tpu.memref_slice %arg2[%dma_wait3A_47, %dma_wait3A_48] : memref<1000000x64xf32, #tpu.memory_space<hbm>> -> memref<1000000x64xf32, #tpu.memory_space<hbm>>
      tpu.wait_indirect_dma semaphore(%arg9 : memref<!tpu.dma_semaphore, #tpu.memory_space<semaphore_mem>>) src(%dma_wait3A_49 : memref<1000000x64xf32, #tpu.memory_space<hbm>>) dst(%arg7 : memref<128x64xf32, #tpu.memory_space<vmem>>)
      %add3A_50 = arith.constant 1 : i32
      %add3A_51 = arith.addi %add3A_22, %add3A_50 : i32
      %mul3A_52 = arith.constant 128 : i32
      %mul3A_53 = arith.muli %add3A_51, %mul3A_52 : i32
      %add3A_54 = arith.addi %mul3A_2, %mul3A_53 : i32
      %dma_start3A_55 = arith.constant 0 : i32
      %dma_start3A_56 = tpu.memref_slice %arg4[%add3A_54, %dma_start3A_55] : memref<204800x64xf32, #tpu.memory_space<hbm>> -> memref<128x64xf32, #tpu.memory_space<hbm>>
      %dma_start3A_57 = arith.constant 0 : i32
      %dma_start3A_58 = tpu.memref_slice %arg4[%add3A_54, %dma_start3A_57] : memref<204800x64xf32, #tpu.memory_space<hbm>> -> memref<128x64xf32, #tpu.memory_space<hbm>>
      tpu.enqueue_dma source(%arg7 : memref<128x64xf32, #tpu.memory_space<vmem>>) target(%dma_start3A_58 : memref<128x64xf32, #tpu.memory_space<hbm>>) target_semaphore(%arg11 : memref<!tpu.dma_semaphore, #tpu.memory_space<semaphore_mem>>)
      %add3A_59 = arith.constant 2 : i32
      %add3A_60 = arith.addi %add3A_22, %add3A_59 : i32
      %lt3A = arith.constant 50 : i32
      %lt3A_61 = arith.cmpi slt, %add3A_60, %lt3A : i32
      %convert_element_type3A_62 = arith.extui %lt3A_61 : i1 to i32
      %cond3A_63 = arith.constant 0 : i32
      %cond3A_64 = arith.cmpi ne, %convert_element_type3A_62, %cond3A_63 : i32
      scf.if %cond3A_64 {
        %dma_wait3A_65 = arith.constant 0 : i32
        %dma_wait3A_66 = tpu.memref_slice %arg4[%mul3A_2, %dma_wait3A_65] : memref<204800x64xf32, #tpu.memory_space<hbm>> -> memref<128x64xf32, #tpu.memory_space<hbm>>
        %dma_wait3A_67 = arith.constant 0 : i32
        %dma_wait3A_68 = tpu.memref_slice %arg4[%mul3A_2, %dma_wait3A_67] : memref<204800x64xf32, #tpu.memory_space<hbm>> -> memref<128x64xf32, #tpu.memory_space<hbm>>
        tpu.wait_dma2 semaphore(%arg10 : memref<!tpu.dma_semaphore, #tpu.memory_space<semaphore_mem>>) src(%arg6 : memref<128x64xf32, #tpu.memory_space<vmem>>) dst(%dma_wait3A_68 : memref<128x64xf32, #tpu.memory_space<hbm>>)
        %add3A_69 = arith.constant 2 : i32
        %add3A_70 = arith.addi %add3A_22, %add3A_69 : i32
        %mul3A_71 = arith.constant 128 : i32
        %mul3A_72 = arith.muli %add3A_70, %mul3A_71 : i32
        %dma_start3A_73 = tpu.memref_slice %arg5[%mul3A_72] : memref<6400xi32, #tpu.memory_space<vmem>> -> memref<128xi32, #tpu.memory_space<vmem>>
        %dma_start3A_74 = arith.constant 0 : i32
        %dma_start3A_75 = arith.constant 0 : i32
        %dma_start3A_76 = tpu.memref_slice %arg2[%dma_start3A_74, %dma_start3A_75] : memref<1000000x64xf32, #tpu.memory_space<hbm>> -> memref<1000000x64xf32, #tpu.memory_space<hbm>>
        tpu.enqueue_indirect_dma source(%dma_start3A_76 : memref<1000000x64xf32, #tpu.memory_space<hbm>>) target(%arg6 : memref<128x64xf32, #tpu.memory_space<vmem>>) offsets(%dma_start3A_73 : memref<128xi32, #tpu.memory_space<vmem>>) semaphore(%arg8 : memref<!tpu.dma_semaphore, #tpu.memory_space<semaphore_mem>>)
      } else {
      }
    }
    %scan3A_10 = arith.constant 25 : i32
    %dma_wait3A = arith.constant 0 : i32
    %dma_wait3A_11 = tpu.memref_slice %arg4[%mul3A_2, %dma_wait3A] : memref<204800x64xf32, #tpu.memory_space<hbm>> -> memref<128x64xf32, #tpu.memory_space<hbm>>
    %dma_wait3A_12 = arith.constant 0 : i32
    %dma_wait3A_13 = tpu.memref_slice %arg4[%mul3A_2, %dma_wait3A_12] : memref<204800x64xf32, #tpu.memory_space<hbm>> -> memref<128x64xf32, #tpu.memory_space<hbm>>
    tpu.wait_dma2 semaphore(%arg10 : memref<!tpu.dma_semaphore, #tpu.memory_space<semaphore_mem>>) src(%arg6 : memref<128x64xf32, #tpu.memory_space<vmem>>) dst(%dma_wait3A_13 : memref<128x64xf32, #tpu.memory_space<hbm>>)
    %dma_wait3A_14 = arith.constant 0 : i32
    %dma_wait3A_15 = tpu.memref_slice %arg4[%mul3A_2, %dma_wait3A_14] : memref<204800x64xf32, #tpu.memory_space<hbm>> -> memref<128x64xf32, #tpu.memory_space<hbm>>
    %dma_wait3A_16 = arith.constant 0 : i32
    %dma_wait3A_17 = tpu.memref_slice %arg4[%mul3A_2, %dma_wait3A_16] : memref<204800x64xf32, #tpu.memory_space<hbm>> -> memref<128x64xf32, #tpu.memory_space<hbm>>
    tpu.wait_dma2 semaphore(%arg11 : memref<!tpu.dma_semaphore, #tpu.memory_space<semaphore_mem>>) src(%arg7 : memref<128x64xf32, #tpu.memory_space<vmem>>) dst(%dma_wait3A_17 : memref<128x64xf32, #tpu.memory_space<hbm>>)
    return
  }
}

module attributes {stable_mosaic.version = 14 : i64} {
  func.func @body(%arg0: i32, %arg1: memref<64x15872xf32, #tpu.memory_space<vmem>>, %arg2: memref<7936x128xf32, #tpu.memory_space<vmem>>) attributes {dimension_semantics = [#tpu.dimension_semantics<arbitrary>], iteration_bounds = array<i64: 63>, scalar_prefetch = 0 : i64, scratch_operands = 0 : i64, tpu.core_type = #tpu.core_type<tc>, window_params = [{transform_indices = @transform_0, window_bounds = array<i64: 64, 15872>}, {transform_indices = @transform_1, window_bounds = array<i64: 7936, 128>}]} {
    %get3A = arith.constant 0 : index
    %get3A_0 = arith.constant 0 : index
    %get3A_1 = vector.load %arg1[%get3A, %get3A_0] : memref<64x15872xf32, #tpu.memory_space<vmem>>, vector<64x15872xf32>
    %transpose3A = tpu.transpose %get3A_1, [1, 0] : vector<64x15872xf32> -> vector<15872x64xf32>
    %reshape3A = vector.shape_cast %transpose3A : vector<15872x64xf32> to vector<7936x2x64xf32>
    %slice3A = vector.extract_strided_slice %reshape3A {offsets = [0, 0, 0], sizes = [7936, 1, 64], strides = [1, 1, 1]} : vector<7936x2x64xf32> to vector<7936x1x64xf32>
    %squeeze3A = vector.shape_cast %slice3A : vector<7936x1x64xf32> to vector<7936x64xf32>
    %slice3A_2 = vector.extract_strided_slice %reshape3A {offsets = [0, 1, 0], sizes = [7936, 1, 64], strides = [1, 1, 1]} : vector<7936x2x64xf32> to vector<7936x1x64xf32>
    %squeeze3A_3 = vector.shape_cast %slice3A_2 : vector<7936x1x64xf32> to vector<7936x64xf32>
    %concatenate3A = tpu.concatenate %squeeze3A, %squeeze3A_3 in 1 : vector<7936x64xf32>, vector<7936x64xf32> -> vector<7936x128xf32>
    %swap3A = arith.constant 0 : index
    %swap3A_4 = arith.constant 0 : index
    %swap3A_5 = vector.load %arg2[%swap3A, %swap3A_4] : memref<7936x128xf32, #tpu.memory_space<vmem>>, vector<7936x128xf32>
    tpu.vector_store %arg2[%swap3A, %swap3A_4], %concatenate3A {strides = array<i32>} : memref<7936x128xf32, #tpu.memory_space<vmem>>, vector<7936x128xf32>,
    return
  }
  func.func @transform_0(%arg0: i32) -> (i32, i32) {
    %c0_i32 = arith.constant 0 : i32
    %c0_i32_0 = arith.constant 0 : i32
    return %c0_i32, %arg0 : i32, i32
  }
  func.func @transform_1(%arg0: i32) -> (i32, i32) {
    %c0_i32 = arith.constant 0 : i32
    %c0_i32_0 = arith.constant 0 : i32
    return %arg0, %c0_i32 : i32, i32
  }
}

module attributes {stable_mosaic.version = 14 : i64} {
  func.func @body(%arg0: i32, %arg1: memref<500000x128xf32, #tpu.memory_space<any>>, %arg2: memref<32x128xf32, #tpu.memory_space<vmem>>, %arg3: memref<32x128xf32, #tpu.memory_space<vmem>>) attributes {dimension_semantics = [#tpu.dimension_semantics<arbitrary>], iteration_bounds = array<i64: 1>, scalar_prefetch = 0 : i64, scratch_operands = 0 : i64, tpu.core_type = #tpu.core_type<tc>, window_params = [{}, {pipeline_mode = #tpu.pipeline_mode<synchronous>, transform_indices = @transform_1, window_bounds = array<i64: 32, 128>}, {transform_indices = @transform_2, window_bounds = array<i64: 32, 128>}]} {
    %get3A = arith.constant 0 : index
    %get3A_0 = arith.constant 0 : index
    %get3A_1 = vector.load %arg2[%get3A, %get3A_0] : memref<32x128xf32, #tpu.memory_space<vmem>>, vector<32x128xf32>
    %swap3A = arith.constant 0 : index
    %swap3A_2 = arith.constant 0 : index
    %swap3A_3 = vector.load %arg3[%swap3A, %swap3A_2] : memref<32x128xf32, #tpu.memory_space<vmem>>, vector<32x128xf32>
    tpu.vector_store %arg3[%swap3A, %swap3A_2], %get3A_1 {strides = array<i32>} : memref<32x128xf32, #tpu.memory_space<vmem>>, vector<32x128xf32>,
    return
  }
  func.func @transform_1(%arg0: i32) -> (i32, i32) {
    %c0_i32 = arith.constant 0 : i32
    %c0_i32_0 = arith.constant 0 : i32
    %c0_i32_1 = arith.constant 0 : i32
    return %c0_i32, %c0_i32_0 : i32, i32
  }
  func.func @transform_2(%arg0: i32) -> (i32, i32) {
    %c15624_i32 = arith.constant 15624 : i32
    %c0_i32 = arith.constant 0 : i32
    %c0_i32_0 = arith.constant 0 : i32
    return %c15624_i32, %c0_i32 : i32, i32
  }
}

module attributes {stable_mosaic.version = 14 : i64} {
  func.func @body(%arg0: i32, %arg1: memref<1600x64xf32, #tpu.memory_space<vmem>>, %arg2: memref<1600x128xf32, #tpu.memory_space<vmem>>, %arg3: memref<1600x64xf32, #tpu.memory_space<vmem>>, %arg4: memref<128x64xf32, #tpu.memory_space<vmem>>, %arg5: memref<1x64xf32, #tpu.memory_space<vmem>>, %arg6: memref<1x64xf32, #tpu.memory_space<vmem>>, %arg7: memref<1600x64xf32, #tpu.memory_space<vmem>>) attributes {dimension_semantics = [#tpu.dimension_semantics<arbitrary>], iteration_bounds = array<i64: 128>, scalar_prefetch = 0 : i64, scratch_operands = 0 : i64, tpu.core_type = #tpu.core_type<tc>, window_params = [{transform_indices = @transform_0, window_bounds = array<i64: 1600, 64>}, {transform_indices = @transform_1, window_bounds = array<i64: 1600, 128>}, {pipeline_mode = #tpu.pipeline_mode<synchronous>, transform_indices = @transform_2, window_bounds = array<i64: 1600, 64>}, {pipeline_mode = #tpu.pipeline_mode<synchronous>, transform_indices = @transform_3, window_bounds = array<i64: 128, 64>}, {pipeline_mode = #tpu.pipeline_mode<synchronous>, transform_indices = @transform_4, window_bounds = array<i64: 1, 64>}, {pipeline_mode = #tpu.pipeline_mode<synchronous>, transform_indices = @transform_5, window_bounds = array<i64: 1, 64>}, {transform_indices = @transform_6, window_bounds = array<i64: 1600, 64>}]} {
    %get3A = arith.constant 0 : index
    %get3A_0 = arith.constant 0 : index
    %get3A_1 = vector.load %arg2[%get3A, %get3A_0] : memref<1600x128xf32, #tpu.memory_space<vmem>>, vector<1600x128xf32>
    %get3A_2 = arith.constant 0 : index
    %get3A_3 = arith.constant 0 : index
    %get3A_4 = vector.load %arg4[%get3A_2, %get3A_3] : memref<128x64xf32, #tpu.memory_space<vmem>>, vector<128x64xf32>
    %dot_general3A = arith.constant dense<0.000000e+00> : vector<1600x64xf32>
    %dot_general3A_5 = tpu.matmul %get3A_1, %get3A_4, %dot_general3A {dimension_numbers = #tpu.dot_dimension_numbers<[1], [0], [0], [1], [0, 0, 1, 1], [], []>, transpose_lhs_hint = false} : vector<1600x128xf32>, vector<128x64xf32>, vector<1600x64xf32> -> vector<1600x64xf32>
    %get3A_6 = arith.constant 0 : index
    %get3A_7 = arith.constant 0 : index
    %get3A_8 = vector.load %arg1[%get3A_6, %get3A_7] : memref<1600x64xf32, #tpu.memory_space<vmem>>, vector<1600x64xf32>
    %get3A_9 = arith.constant 0 : index
    %get3A_10 = arith.constant 0 : index
    %get3A_11 = vector.load %arg3[%get3A_9, %get3A_10] : memref<1600x64xf32, #tpu.memory_space<vmem>>, vector<1600x64xf32>
    %add3A = arith.addf %get3A_8, %get3A_11 : vector<1600x64xf32>
    %add3A_12 = arith.addf %add3A, %dot_general3A_5 : vector<1600x64xf32>
    %reduce_sum3A = arith.constant dense<0.000000e+00> : vector<1600xf32>
    %reduce_sum3A_13 = vector.multi_reduction <add>, %add3A_12, %reduce_sum3A [1] : vector<1600x64xf32> to vector<1600xf32>
    %broadcast_in_dim3A = vector.shape_cast %reduce_sum3A_13 : vector<1600xf32> to vector<1600x1xf32>
    %div3A = arith.constant 6.400000e+01 : f32
    %div3A_14 = vector.broadcast %div3A : f32 to vector<1600x1xf32>
    %div3A_15 = arith.divf %broadcast_in_dim3A, %div3A_14 : vector<1600x1xf32>
    %sub3A = vector.broadcast %div3A_15 : vector<1600x1xf32> to vector<1600x64xf32>
    %sub3A_16 = arith.subf %add3A_12, %sub3A : vector<1600x64xf32>
    %mul3A = arith.mulf %sub3A_16, %sub3A_16 : vector<1600x64xf32>
    %reduce_sum3A_17 = arith.constant dense<0.000000e+00> : vector<1600xf32>
    %reduce_sum3A_18 = vector.multi_reduction <add>, %mul3A, %reduce_sum3A_17 [1] : vector<1600x64xf32> to vector<1600xf32>
    %broadcast_in_dim3A_19 = vector.shape_cast %reduce_sum3A_18 : vector<1600xf32> to vector<1600x1xf32>
    %div3A_20 = arith.constant 6.400000e+01 : f32
    %div3A_21 = vector.broadcast %div3A_20 : f32 to vector<1600x1xf32>
    %div3A_22 = arith.divf %broadcast_in_dim3A_19, %div3A_21 : vector<1600x1xf32>
    %add3A_23 = arith.constant 9.99999997E-7 : f32
    %add3A_24 = vector.broadcast %add3A_23 : f32 to vector<1600x1xf32>
    %add3A_25 = arith.addf %div3A_22, %add3A_24 : vector<1600x1xf32>
    %rsqrt3A = math.rsqrt %add3A_25 : vector<1600x1xf32>
    %mul3A_26 = vector.broadcast %rsqrt3A : vector<1600x1xf32> to vector<1600x64xf32>
    %mul3A_27 = arith.mulf %sub3A_16, %mul3A_26 : vector<1600x64xf32>
    %get3A_28 = arith.constant 0 : index
    %get3A_29 = arith.constant 0 : index
    %get3A_30 = vector.load %arg5[%get3A_28, %get3A_29] : memref<1x64xf32, #tpu.memory_space<vmem>>, vector<1x64xf32>
    %mul3A_31 = vector.broadcast %get3A_30 : vector<1x64xf32> to vector<1600x64xf32>
    %mul3A_32 = arith.mulf %mul3A_27, %mul3A_31 : vector<1600x64xf32>
    %get3A_33 = arith.constant 0 : index
    %get3A_34 = arith.constant 0 : index
    %get3A_35 = vector.load %arg6[%get3A_33, %get3A_34] : memref<1x64xf32, #tpu.memory_space<vmem>>, vector<1x64xf32>
    %add3A_36 = vector.broadcast %get3A_35 : vector<1x64xf32> to vector<1600x64xf32>
    %add3A_37 = arith.addf %mul3A_32, %add3A_36 : vector<1600x64xf32>
    %swap3A = arith.constant 0 : index
    %swap3A_38 = arith.constant 0 : index
    %swap3A_39 = vector.load %arg7[%swap3A, %swap3A_38] : memref<1600x64xf32, #tpu.memory_space<vmem>>, vector<1600x64xf32>
    tpu.vector_store %arg7[%swap3A, %swap3A_38], %add3A_37 {strides = array<i32>} : memref<1600x64xf32, #tpu.memory_space<vmem>>, vector<1600x64xf32>,
    return
  }
  func.func @transform_0(%arg0: i32) -> (i32, i32) {
    %c0_i32 = arith.constant 0 : i32
    %c0_i32_0 = arith.constant 0 : i32
    return %arg0, %c0_i32 : i32, i32
  }
  func.func @transform_1(%arg0: i32) -> (i32, i32) {
    %c0_i32 = arith.constant 0 : i32
    %c0_i32_0 = arith.constant 0 : i32
    return %arg0, %c0_i32 : i32, i32
  }
  func.func @transform_2(%arg0: i32) -> (i32, i32) {
    %c0_i32 = arith.constant 0 : i32
    %c0_i32_0 = arith.constant 0 : i32
    %c0_i32_1 = arith.constant 0 : i32
    return %c0_i32, %c0_i32_0 : i32, i32
  }
  func.func @transform_3(%arg0: i32) -> (i32, i32) {
    %c0_i32 = arith.constant 0 : i32
    %c0_i32_0 = arith.constant 0 : i32
    %c0_i32_1 = arith.constant 0 : i32
    return %c0_i32, %c0_i32_0 : i32, i32
  }
  func.func @transform_4(%arg0: i32) -> (i32, i32) {
    %c0_i32 = arith.constant 0 : i32
    %c0_i32_0 = arith.constant 0 : i32
    %c0_i32_1 = arith.constant 0 : i32
    return %c0_i32, %c0_i32_0 : i32, i32
  }
  func.func @transform_5(%arg0: i32) -> (i32, i32) {
    %c0_i32 = arith.constant 0 : i32
    %c0_i32_0 = arith.constant 0 : i32
    %c0_i32_1 = arith.constant 0 : i32
    return %c0_i32, %c0_i32_0 : i32, i32
  }
  func.func @transform_6(%arg0: i32) -> (i32, i32) {
    %c0_i32 = arith.constant 0 : i32
    %c0_i32_0 = arith.constant 0 : i32
    return %arg0, %c0_i32 : i32, i32
  }
}

</mosaic_0001>

<sc_bundles>
// kernel: kernel.6.cloned.1.call-start
scs
__scs_entry_jumppad:
0x0: {  	(pc) =	sbr.rel $0x88, $3  }
0x1: {  	(tag) =	ssettag $0x0;
	lr =	simm.s32 $0x1  }
0x2: {  	[smem:$0x3F9A] =	sst lr;
	_ =	strace $0xD0000000  }
0x3: {  	_ = 	snop  }
0x4: {  	_ = 	snop  }
0x5: {  	_ = 	snop  }
0x6: {  	_ = 	snop  }
0x7: {  	_ = 	snop  }
__scs_overlays_trampoline_lowered:
0x8: {  	[smem:$0x3FA9] =	sst s0  }
0x9: {  	[smem:$0x3FAA] =	sst s1  }
0xa: {  	[smem:$0x3FAB] =	sst s2  }
0xb: {  	[smem:$0x3FAC] =	sst s3  }
0xc: {  	[smem:$0x3FAD] =	sst s4  }
0xd: {  	[smem:$0x3FAE] =	sst s5  }
0xe: {  	[smem:$0x3FAF] =	sst s6  }
0xf: {  	[smem:$0x3FB0] =	sst s7  }
0x10: {  	[smem:$0x3FB1] =	sst s8  }
0x11: {  	[smem:$0x3FB2] =	sst s9;
	s0 =	simm.s32 @!p0 $0x0  }
0x12: {  	s1 =	sld [smem:$0x3F98];
	s0 =	simm.s32 @p0 $0x1  }
0x13: {  	[smem:$0x3FB3] =	sst s0;
	s0 =	simm.s32 @!p1 $0x0  }
0x14: {  	s2 =	sld [smem:$0x3F97];
	s0 =	simm.s32 @p1 $0x1  }
0x15: {  	[smem:$0x3FB4] =	sst s0;
	s0 =	simm.s32 @!p2 $0x0  }
0x16: {  	s3 =	sld [smem:$0x3FDB];
	s0 =	simm.s32 @p2 $0x1  }
0x17: {  	s4 =	simm.s32 $0x1BF5;
	[smem:$0x3FB6] =	sst s0  }
0x18: {  	s0 =	sld [smem:$0x3F99];
	_ =	swait.ge [sflag:s4], $0x0  }
0x19: {  	s7 =	sld [smem:$0x3F9A]  }
0x1a: {  	s8 =	sadd.s32 $0xFFFFE003, lr  }
0x1b: {  	s9 =	sadd.s32 $0xFFFFFEF7, lr;
	s5 =	simm.s32 $0xFFFFFFFF;
	p2 =	slt.u32 s8, $0xFFFFF086  }
0x1c: {  	p1 =	slt.u32 s9, $0xF7A;
	s5 =	simm.s32 @!p2 $0x0  }
0x1d: {  	s5 =	simm.s32 @p1 $0x1;
	p0 =	seq.s32 s7, s2  }
0x1e: {  	s7 =	smul.u32 @!p0 $0xF7A, s2;
	p2 =	seq.s32 @!p0 s5, $0x0  }
0x1f: {  	s9 =	smul.u32 $0xF7A, s1;
	s8 =	simm.s32 @!p0 $0x1BF5;
	p2 =	por !p2, p0  }
0x20: {  	[sflag:s8] =	ssyncset.s32 @!p0 $0xFFFFF086;
	s6 =	sadd.s32 @!p0 s3, s7;
	s7 =	simm.s32 @!p0 $0x108  }
0x21: {  	s3 =	sadd.s32 s3, s9;
	s6 =	sadd.s32 @!p0 $0x88, s6;
	s7 =	simm.s32 @p2 $0x1082  }
0x22: {  	[simem:s7], [sflag:s8] =	dma.local @!p0 [hbm:s6], $0xF7A  }
0x23: {  	s9 =	sor.u32 $0xD0000000, s2;
	s6 =	simm.s32 $0x108;
	_ =	swait.ge @!p0 [sflag:s8], $0x0  }
0x24: {  	s3 =	sadd.s32 $0x88, s3;
	s6 =	simm.s32 @!p1 $0x1082;
	[sflag:s4] =	ssyncset.s32 $0xFFFFF086  }
0x25: {  	[simem:s6], [sflag:s4] =	dma.local [hbm:s3], $0xF7A  }
0x26: {  	[smem:$0x3F9A] =	sst s1;
	(tag) =	ssettag s2;
	_ =	strace s9  }
0x27: {  	s1 =	sld [smem:$0x3FAA]  }
0x28: {  	s2 =	sld [smem:$0x3FAB]  }
0x29: {  	s4 =	sld [smem:$0x3FAD]  }
0x2a: {  	p0 =	seq.s32 s5, $0x0;
	s5 =	sld [smem:$0x3FAE]  }
0x2b: {  	s6 =	sld [smem:$0x3FAF]  }
0x2c: {  	s7 =	sld [smem:$0x3FB0]  }
0x2d: {  	s3 =	simm.s32 $0x108;
	s8 =	sld [smem:$0x3FB1]  }
0x2e: {  	s3 =	simm.s32 @!p0 $0x1082;
	s9 =	sld [smem:$0x3FB2]  }
0x2f: {  	lr =	sadd.s32 s0, s3;
	s0 =	sld [smem:$0x3FA9]  }
0x30: {  	s3 =	sld [smem:$0x3FAC]  }
0x31: {  	[smem:$0x3FB5] =	sst s10  }
0x32: {  	s10 =	sld [smem:$0x3FB3];
	_ =	sdelay $0x3  }
0x33: {  	p0 =	seq.s32 s10, $0x1;
	s10 =	sld [smem:$0x3FB5];
	_ =	sdelay $0x3  }
0x34: {  	[smem:$0x3FB5] =	sst s10  }
0x35: {  	s10 =	sld [smem:$0x3FB4];
	_ =	sdelay $0x3  }
0x36: {  	p1 =	seq.s32 s10, $0x1;
	s10 =	sld [smem:$0x3FB5];
	_ =	sdelay $0x3  }
0x37: {  	[smem:$0x3FB5] =	sst s10  }
0x38: {  	s10 =	sld [smem:$0x3FB6]  }
0x39: {  	_ = 	snop;
	(pc) =	sbr.ind lr, $3  }
0x3a: {  	_ = 	snop  }
0x3b: {  	_ = 	snop  }
0x3c: {  	p2 =	seq.s32 s10, $0x1;
	s10 =	sld [smem:$0x3FB5]  }
0x3d: {  	_ =	shalt  }
0x3e: {  	_ =	shalt  }
0x3f: {  	_ =	shalt  }
0x40: {  	_ =	shalt  }
0x41: {  	_ =	shalt  }
0x42: {  	_ =	shalt  }
0x43: {  	_ =	shalt  }
0x44: {  	_ =	shalt  }
0x45: {  	_ =	shalt  }
0x46: {  	_ =	shalt  }
0x47: {  	_ =	shalt  }
0x48: {  	_ =	shalt  }
0x49: {  	_ =	shalt  }
0x4a: {  	_ =	shalt  }
0x4b: {  	_ =	shalt  }
0x4c: {  	_ =	shalt  }
0x4d: {  	_ =	shalt  }
0x4e: {  	_ =	shalt  }
0x4f: {  	_ =	shalt  }
0x50: {  	_ =	shalt  }
0x51: {  	_ =	shalt  }
0x52: {  	_ =	shalt  }
0x53: {  	_ =	shalt  }
0x54: {  	_ =	shalt  }
0x55: {  	_ =	shalt  }
0x56: {  	_ =	shalt  }
0x57: {  	_ =	shalt  }
0x58: {  	_ =	shalt  }
0x59: {  	_ =	shalt  }
0x5a: {  	_ =	shalt  }
0x5b: {  	_ =	shalt  }
0x5c: {  	_ =	shalt  }
0x5d: {  	_ =	shalt  }
0x5e: {  	_ =	shalt  }
0x5f: {  	_ =	shalt  }
0x60: {  	_ =	shalt  }
0x61: {  	_ =	shalt  }
0x62: {  	_ =	shalt  }
0x63: {  	_ =	shalt  }
0x64: {  	_ =	shalt  }
0x65: {  	_ =	shalt  }
0x66: {  	_ =	shalt  }
0x67: {  	_ =	shalt  }
0x68: {  	_ =	shalt  }
0x69: {  	_ =	shalt  }
0x6a: {  	_ =	shalt  }
0x6b: {  	_ =	shalt  }
0x6c: {  	_ =	shalt  }
0x6d: {  	_ =	shalt  }
0x6e: {  	_ =	shalt  }
0x6f: {  	_ =	shalt  }
0x70: {  	_ =	shalt  }
0x71: {  	_ =	shalt  }
0x72: {  	_ =	shalt  }
0x73: {  	_ =	shalt  }
0x74: {  	_ =	shalt  }
0x75: {  	_ =	shalt  }
0x76: {  	_ =	shalt  }
0x77: {  	_ =	shalt  }
0x78: {  	_ =	shalt  }
0x79: {  	_ =	shalt  }
0x7a: {  	_ =	shalt  }
0x7b: {  	_ =	shalt  }
0x7c: {  	_ =	shalt  }
0x7d: {  	_ =	shalt  }
0x7e: {  	_ =	shalt  }
0x7f: {  	_ =	shalt  }
0x80: {  	_ =	shalt  }
0x81: {  	_ =	shalt  }
0x82: {  	_ =	shalt  }
0x83: {  	_ =	shalt  }
0x84: {  	_ =	shalt  }
0x85: {  	_ =	shalt  }
0x86: {  	_ =	shalt  }
0x87: {  	_ =	shalt  }
.Lfunc_end0:
.L_simem_size_0:
called_computation.1_lowered:
.L_overlay_start_0:
0x88: {  	s2 =	sld [smem:$0x3FD9]  }
0x89: {  	s3 =	sld [smem:$0x3FFE];
	_ =	sdelay $0x1  }
0x8a: {  	s1 =	srdreg.scid  }
0x8b: {  	s0 =	sand.u32 $0x1, s1  }
0x8c: {  	s17 =	sshll.u32 s0, $0xA;
	s2 =	sadd.s32 s3, s2  }
0x8d: {  	s2 =	sadd.s32 s2, s17  }
0x8e: {  	[smem:$0x3FC1] =	sst s2  }
0x8f: {  	_ = 	snop  }
0x90: {  	s2 =	sld [smem:$0x3FD0];
	(tm) =	ssettm $0x1  }
0x91: {  	s18 =	sld [smem:$0x3FFB];
	_ =	sdelay $0x3  }
0x92: {  	_ =	strace s18  }
0x93: {  	s3 =	sld [smem:$0x3FFC];
	_ =	sdelay $0x3  }
0x94: {  	_ =	strace s3  }
0x95: {  	s3 =	sld [smem:$0x3FFD];
	_ =	sdelay $0x3  }
0x96: {  	_ =	strace s3  }
0x97: {  	_ =	strace $0x8FFFFFFF  }
0x98: {  	s19 =	sld [smem:$0x3FDB];
	_ =	sdelay $0x1  }
0x99: {  	s4 =	simm.s32 $_scs_section_size  }
0x9a: {  	s5 =	simm.s32 $_size__tile_overlayer_lowered;
	s6 =	simm.s32 $_tile_overlayer_lowered  }
0x9b: {  	s22 =	simm.s32 $0x1BFF;
	s21 =	sshll.u32 s6, $0x1;
	s3 =	sadd.s32 s4, s19  }
0x9c: {  	s7 =	simm.s32 $0x0;
	s20 =	sshll.u32 s5, $0x1;
	s5 =	sadd.s32 s21, s3  }
0x9d: {  	[timem:s7], [sflag:s22] =	dma.local [hbm:s5], s20  }
0x9e: {  	_ =	swait.ge [sflag:s22], s20  }
0x9f: {  	s4 =	ssub.s32 $0x0, s20;
	[sflag:s22] =	ssyncset.done $0x0  }
0xa0: {  	[sflag:s22] =	ssyncadd.s32 s4;
	_ =	sdelay $0x1  }
0xa1: {  	s23 =	simm.s32 $0x1B8B  }
0xa2: {  	_ =	swait.ge [sflag:s23], $0x1  }
0xa3: {  	[sflag:s23] =	ssyncset.done $0x0  }
0xa4: {  	s25 =	simm.s32 $0x1B8E;
	s24 =	sld [smem:$0x3FFE];
	[sflag:s23] =	ssyncadd.s32 $0xFFFFFFFF  }
0xa5: {  	s26 =	simm.s32 $execute0_lowered;
	[smem:$0x3FD2] =	sst s25  }
0xa6: {  	s5 =	sshll.u32 s26, $0x1;
	_ =	strace $0x80000046;
	[dreg:$0x1] =	wrdreg $0xFFFFFFFF  }
0xa7: {  	s28 =	simm.s32 $_size_execute0_lowered;
	s3 =	sadd.s32 s3, s5;
	[dreg:$0x0] =	wrdreg $0x0  }
0xa8: {  	s5 =	sshll.u32 s28, $0x1;
	[dreg:$0x2] =	wrdreg s3  }
0xa9: {  	[dreg:$0x3] =	wrdreg s5  }
0xaa: {  	[dreg:$0x4] =	wrdreg $0xC0  }
0xab: {  	_ =	task [dreg:s7], $0x5FFFF  }
0xac: {  	[dreg:$0x1] =	wrdreg $0xFFFFFFFF  }
0xad: {  	[dreg:$0x0] =	wrdreg $0x60  }
0xae: {  	[dreg:$0x2] =	wrdreg s24  }
0xaf: {  	[dreg:$0x3] =	wrdreg s2  }
0xb0: {  	[dreg:$0x4] =	wrdreg $0x9  }
0xb1: {  	_ =	task.clear_ibuf [dreg:s7], $0x5FFFF;
	_ =	strace $0x90000046  }
0xb2: {  	s29 =	simm.s32 $0x9;
	_ =	strace $0x80000048  }
0xb3: {  	_ =	swait.ge [sflag:s29], $0x1  }
0xb4: {  	[sflag:s29] =	ssyncadd.s32 $0xFFFFFFFF  }
0xb5: {  	_ =	strace $0x90000048  }
0xb6: {  	_ =	sfence  }
0xb7: {  	s30 =	sld [smem:$0x0];
	_ =	sdelay $0x2  }
0xb8: {  	s31 =	sshll.u32 s1, $0xD;
	s1 =	sshrl.u32 s1, $0x2  }
0xb9: {  	s3 =	sand.u32 $0x4000, s31;
	s1 =	sadd.s32 s1, s30  }
0xba: {  	s0 =	sor.u32 s3, s0;
	s1 =	sshll.u32 s1, $0x11  }
0xbb: {  	s0 =	sor.u32 s1, s0  }
0xbc: {  	s0 =	sadd.s32 $0x8F2B, s0  }
0xbd: {  	[sflag:s0] =	ssyncadd.remote.s32 $0x1  }
0xbe: {  	_ =	sfence.sel $0xFFFF  }
0xbf: {  	[dreg:$0x0] =	wrdreg $0xFFFFFFFF;
	(pc) =	sbr.abs _section_cstart, $3  }
0xc0: {  	[dreg:$0x1] =	wrdreg $0xFFFFFFFF  }
0xc1: {  	_ =	task.clear_ibuf [dreg:s7], $0x2FFFF;
	_ =	strace $0x9FFFFFFF  }
0xc2: {  	(tm) =	ssettm $0x7FFFFFFF  }
0xc3: {  	_ =	shalt  }
tec
execute0_lowered:
.L_overlay_start_1:
0x0: {  	(tag) =	ssettag $0x1  }
0x1: {  	s5 =	rddreg [dreg:$0x0];
	s1 =	srdreg.scid  }
0x2: {  	s0 =	stileid.u32;
	s2 =	rddreg [dreg:$0x1];
	s3 =	simm.s32 $0x0  }
0x3: {  	s14 =	simm.s32 $0x1;
	s15 =	simm.s32 $0x3900;
	s16 =	simm.s32 $0x2  }
0x4: {  	s17 =	simm.s32 $0x3;
	s18 =	simm.s32 $0x100;
	s12 =	smul.u32 $0x3200, s0  }
0x5: {  	s19 =	simm.s32 $0x4;
	s7 =	sand.u32 $0x1, s1;
	s26 =	smul.u32 $0xC8000, s0  }
0x6: {  	s20 =	simm.s32 $0x0;
	s4 =	sshll.u32 s0, $0x1;
	s25 =	smul.u32 $0x1900, s7  }
0x7: {  	s1 =	rddreg [dreg:$0x2];
	s6 =	sor.u32 s7, s4;
	s13 =	smul.u32 $0x64000, s7  }
0x8: {  	[smem:$0x7FF] =	sst s3;
	s10 =	ssub.s32 $0x2, s7;
	s8 =	smul.u32 $0x1900, s6  }
0x9: {  	_ =	strace $0x80000047;
	s9 =	smul.u32 $0x64000, s6;
	s23 =	sshrl.u32 s10, $0x1  }
0xa: {  	s4 =	sadd.s32 $0xC00, s5;
	s11 =	smul.u32 $0xC800, s6;
	s24 =	ssub.s32 s10, s23  }
0xb: {  	s30 =	sadd.s32 s13, s26;
	s13 =	simm.s32 $0x1900;
	s22 =	sshrl.u32 s8, $0x3  }
.Ltmp0:
0xc: {  	s6 =	smax.u32 s24, $0x1;
	s9 =	sshrl.u32 s9, $0x3;
	(pc) =	sbr.rel .LBB2_1-.Ltmp0, $4  }
0xd: {  	s8 =	sadd.s32 s25, s12;
	s28 =	sadd.s32 s11, s2;
	s11 =	simm.s32 $0x5  }
0xe: {  	s12 =	simm.s32 $0x80;
	s5 =	sadd.s32 s22, s5;
	s29 =	sshll.u32 s8, $0x3  }
0xf: {  	s7 =	sadd.s32 s2, s9;
	s8 =	sadd.s32 $0x400, s28;
	s31 =	sadd.s32 s2, s29  }
0x10: {  	s9 =	sadd.s32 $0x4000, s30;
	s5 =	sadd.s32 $0x7A1E00, s5;
	s10 =	sadd.s32 $0xC00, s31  }
.LBB2_4:
0x11: {  	s20 =	sadd.s32 $0x1, s20  }
0x12: {  	p0 =	sne.s32 s20, s6  }
.Ltmp1:
0x13: {  	_ = 	snop;
	(pc) =	sbr.rel @!p0 .LBB2_5-.Ltmp1, $4  }
0x14: {  	_ = 	snop  }
0x15: {  	_ =	swait.ge [sflag:s19], $0x2000  }
0x16: {  	[sflag:s19] =	ssyncset.done $0x0  }
0x17: {  	[sflag:s19] =	ssyncadd.s32 $0xFFFFE000  }
.LBB2_1:
0x18: {  	[tilespmem:s3], [sflag:$0x5] =	stream.linear.gather [hbm4b:s5+s3], $0x1900, $0x38;
	[tilespmem:$0x5900] =	vst v63  }
0x19: {  	_ =	swait.ge [sflag:s11], $0x1900  }
0x1a: {  	[sflag:s11] =	ssyncset.done $0x0  }
0x1b: {  	[sflag:s11] =	ssyncadd.s32 $0xFFFFE700  }
0x1c: {  	[tilespmem:s13], [sflag:$0x1] =	stream.indirect.gather [hbm4b:s4+s12], $0x40, s3, s12, $0xb8;
	[tilespmem:$0x5900] =	vst v63  }
0x1d: {  	_ =	swait.ge [sflag:s14], $0x2000  }
0x1e: {  	[sflag:s14] =	ssyncset.done $0x0  }
0x1f: {  	[sflag:s14] =	ssyncadd.s32 $0xFFFFE000  }
0x20: {  	[hbm4b:s7+s3] =	stream.linear.scatter [tilespmem:s13], [sflag:$0x3], $0x2000, $0x38;
	[tilespmem:$0x5900] =	vst v63  }
0x21: {  	_ = 	snop  }
0x22: {  	[tilespmem:s15], [sflag:$0x2] =	stream.indirect.gather [hbm4b:s4+s12], $0x40, s12, s12, $0xb8;
	[tilespmem:$0x5900] =	vst v63  }
0x23: {  	_ =	swait.ge [sflag:s16], $0x2000  }
0x24: {  	[sflag:s16] =	ssyncset.done $0x0  }
0x25: {  	[sflag:s16] =	ssyncadd.s32 $0xFFFFE000  }
0x26: {  	[hbm4b:s8+s3] =	stream.linear.scatter [tilespmem:s15], [sflag:$0x4], $0x2000, $0x38;
	[tilespmem:$0x5900] =	vst v63  }
0x27: {  	_ =	swait.ge [sflag:s17], $0x2000  }
0x28: {  	s21 =	simm.s32 $0x180;
	[sflag:s17] =	ssyncset.done $0x0  }
0x29: {  	s22 =	simm.s32 $0x0;
	s23 =	smov.u32 s9;
	[sflag:s17] =	ssyncadd.s32 $0xFFFFE000  }
0x2a: {  	[tilespmem:s13], [sflag:$0x1] =	stream.indirect.gather [hbm4b:s4+s12], $0x40, s18, s12, $0xb8;
	[tilespmem:$0x5900] =	vst v63  }
.LBB2_2:
0x2b: {  	_ =	swait.ge [sflag:s19], $0x2000  }
0x2c: {  	[sflag:s19] =	ssyncset.done $0x0  }
0x2d: {  	[sflag:s19] =	ssyncadd.s32 $0xFFFFE000  }
0x2e: {  	_ =	swait.ge [sflag:s14], $0x2000  }
0x2f: {  	s24 =	sshrl.u32 s23, $0x3;
	[sflag:s14] =	ssyncset.done $0x0  }
0x30: {  	s24 =	sadd.s32 s2, s24;
	[sflag:s14] =	ssyncadd.s32 $0xFFFFE000  }
0x31: {  	[hbm4b:s24+s3] =	stream.linear.scatter [tilespmem:s13], [sflag:$0x3], $0x2000, $0x38;
	[tilespmem:$0x5900] =	vst v63  }
0x32: {  	_ = 	snop  }
0x33: {  	[tilespmem:s15], [sflag:$0x2] =	stream.indirect.gather [hbm4b:s4+s12], $0x40, s21, s12, $0xb8;
	[tilespmem:$0x5900] =	vst v63  }
0x34: {  	_ =	swait.ge [sflag:s16], $0x2000  }
0x35: {  	p0 =	seq.s32 s22, $0xB800;
	[sflag:s16] =	ssyncset.done $0x0  }
.Ltmp2:
0x36: {  	s31 =	sadd.s32 s22, s10;
	[sflag:s16] =	ssyncadd.s32 $0xFFFFE000;
	(pc) =	sbr.rel @p0 .LBB2_4-.Ltmp2, $4  }
0x37: {  	[hbm4b:s31+s3] =	stream.linear.scatter [tilespmem:s15], [sflag:$0x4], $0x2000, $0x38;
	[tilespmem:$0x5900] =	vst v63  }
0x38: {  	_ =	swait.ge [sflag:s17], $0x2000  }
0x39: {  	[sflag:s17] =	ssyncset.done $0x0  }
0x3a: {  	[sflag:s17] =	ssyncadd.s32 $0xFFFFE000  }
.Ltmp3:
0x3b: {  	(pc) =	sbr.rel .LBB2_2-.Ltmp3, $4  }
0x3c: {  	_ = 	snop  }
0x3d: {  	s24 =	sadd.s32 $0x80, s21  }
0x3e: {  	s23 =	sadd.s32 $0x4000, s23;
	s21 =	sadd.s32 $0x100, s21;
	s22 =	sadd.s32 $0x800, s22  }
0x3f: {  	[tilespmem:s13], [sflag:$0x1] =	stream.indirect.gather [hbm4b:s4+s12], $0x40, s24, s12, $0xb8;
	[tilespmem:$0x5900] =	vst v63  }
.LBB2_5:
0x40: {  	_ =	sfence.sel $0x180000  }
0x41: {  	[bflag:$0x0] =	sbarrier.arrive $0xFFFF  }
0x42: {  	p0 =	sne.s32 s0, $0x0;
	_ =	strace $0x90000047  }
0x43: {  	s0 =	sadd.s32 @!p0 $0x100000, s1;
	[bflag:$0x2] =	sbarrier.arrive $0xFFFF  }
0x44: {  	[sflag:s0] =	ssyncadd.tile.s32 @!p0 $0x1;
	_ =	shalt  }
.Lfunc_end2:
_tile_overlayer_lowered:
.L_overlay_start_2:
0x45: {  	(tag) =	ssettag $0x2  }
0x46: {  	s0 =	rddreg [dreg:$0x0];
	s2 =	stileid.u32  }
0x47: {  	s1 =	rddreg [dreg:$0x1];
	p0 =	sne.s32 s2, $0x0  }
0x48: {  	s3 =	rddreg [dreg:$0x2];
	[bflag:$0x3] =	sbarrier.arrive $0xFFFF;
	s2 =	simm.s32 @!p0 $0x1C05  }
0x49: {  	[timem:s3], [sflag:s2] =	dma.local @!p0 [hbm:s0], s1  }
0x4a: {  	s0 =	simm.s32 @!p0 $0x5  }
0x4b: {  	_ =	swait.ge @!p0 [sflag:s0], s1  }
0x4c: {  	s1 =	ssub.s32 @!p0 $0x0, s1;
	[sflag:s0] =	ssyncset.done @!p0 $0x0  }
0x4d: {  	[sflag:s0] =	ssyncadd.s32 @!p0 s1  }
0x4e: {  	[bflag:$0x3] =	sbarrier.arrive $0xFFFF  }
0x4f: {  	_ =	shalt  }

// kernel: sparse-core-data-format-call.cloned.1.call-start
scs
called_computation_lowered:
.L_overlay_start_0:
0x0: {  	s2 =	sld [smem:$0x3FD9]  }
0x1: {  	s3 =	sld [smem:$0x3FFE];
	_ =	sdelay $0x1  }
0x2: {  	s1 =	srdreg.scid  }
0x3: {  	s0 =	sand.u32 $0x1, s1  }
0x4: {  	s18 =	sshll.u32 s0, $0xA;
	s2 =	sadd.s32 s3, s2  }
0x5: {  	s2 =	sadd.s32 s2, s18  }
0x6: {  	[smem:$0x3FC1] =	sst s2  }
0x7: {  	_ = 	snop  }
0x8: {  	s2 =	sld [smem:$0x3FD0];
	(tm) =	ssettm $0x1  }
0x9: {  	s19 =	sld [smem:$0x3FFB];
	_ =	sdelay $0x3  }
0xa: {  	_ =	strace s19  }
0xb: {  	s3 =	sld [smem:$0x3FFC];
	_ =	sdelay $0x3  }
0xc: {  	_ =	strace s3  }
0xd: {  	s3 =	sld [smem:$0x3FFD];
	_ =	sdelay $0x3  }
0xe: {  	_ =	strace s3  }
0xf: {  	_ =	strace $0x8FFFFFFF  }
0x10: {  	s20 =	sld [smem:$0x3FDB];
	_ =	sdelay $0x1  }
0x11: {  	s4 =	simm.s32 $_scs_section_size  }
0x12: {  	s5 =	simm.s32 $_size__tile_overlayer_lowered;
	s6 =	simm.s32 $_tile_overlayer_lowered  }
0x13: {  	s23 =	simm.s32 $0x1BFF;
	s22 =	sshll.u32 s6, $0x1;
	s3 =	sadd.s32 s4, s20  }
0x14: {  	s7 =	simm.s32 $0x0;
	s21 =	sshll.u32 s5, $0x1;
	s5 =	sadd.s32 s22, s3  }
0x15: {  	[timem:s7], [sflag:s23] =	dma.local [hbm:s5], s21  }
0x16: {  	_ =	swait.ge [sflag:s23], s21  }
0x17: {  	s4 =	ssub.s32 $0x0, s21;
	[sflag:s23] =	ssyncset.done $0x0  }
0x18: {  	[sflag:s23] =	ssyncadd.s32 s4;
	_ =	sdelay $0x1  }
0x19: {  	s24 =	simm.s32 $0x1B8B  }
0x1a: {  	_ =	swait.ge [sflag:s24], $0x1  }
0x1b: {  	[sflag:s24] =	ssyncset.done $0x0  }
0x1c: {  	s26 =	simm.s32 $0x1B8E;
	s25 =	sld [smem:$0x3FFE];
	[sflag:s24] =	ssyncadd.s32 $0xFFFFFFFF  }
0x1d: {  	s27 =	simm.s32 $execute0_lowered;
	[smem:$0x3FD2] =	sst s26  }
0x1e: {  	s5 =	sshll.u32 s27, $0x1;
	_ =	strace $0x80000049;
	[dreg:$0x1] =	wrdreg $0xFFFFFFFF  }
0x1f: {  	s28 =	simm.s32 $_size_execute0_lowered;
	s3 =	sadd.s32 s3, s5;
	[dreg:$0x0] =	wrdreg $0x0  }
0x20: {  	s5 =	sshll.u32 s28, $0x1;
	[dreg:$0x2] =	wrdreg s3  }
0x21: {  	[dreg:$0x3] =	wrdreg s5  }
0x22: {  	[dreg:$0x4] =	wrdreg $0xC0  }
0x23: {  	_ =	task [dreg:s7], $0x5FFFF  }
0x24: {  	[dreg:$0x1] =	wrdreg $0xFFFFFFFF  }
0x25: {  	[dreg:$0x0] =	wrdreg $0x60  }
0x26: {  	[dreg:$0x2] =	wrdreg s25  }
0x27: {  	[dreg:$0x3] =	wrdreg s2  }
0x28: {  	[dreg:$0x4] =	wrdreg $0x9  }
0x29: {  	_ =	task.clear_ibuf [dreg:s7], $0x5FFFF;
	_ =	strace $0x90000049  }
0x2a: {  	s29 =	simm.s32 $0x9;
	_ =	strace $0x8000004B  }
0x2b: {  	_ =	swait.ge [sflag:s29], $0x1  }
0x2c: {  	[sflag:s29] =	ssyncadd.s32 $0xFFFFFFFF  }
0x2d: {  	_ =	strace $0x9000004B  }
0x2e: {  	_ =	sfence  }
0x2f: {  	s30 =	sld [smem:$0x0];
	_ =	sdelay $0x2  }
0x30: {  	s31 =	sshll.u32 s1, $0xD;
	s1 =	sshrl.u32 s1, $0x2  }
0x31: {  	s3 =	sand.u32 $0x4000, s31;
	s1 =	sadd.s32 s1, s30  }
0x32: {  	s0 =	sor.u32 s3, s0;
	s1 =	sshll.u32 s1, $0x11  }
0x33: {  	s0 =	sor.u32 s1, s0  }
0x34: {  	s0 =	sadd.s32 $0x8F2B, s0  }
0x35: {  	[sflag:s0] =	ssyncadd.remote.s32 $0x1  }
0x36: {  	_ =	sfence.sel $0xFFFF  }
0x37: {  	[dreg:$0x0] =	wrdreg $0xFFFFFFFF;
	(pc) =	sbr.abs _section_cstart, $3  }
0x38: {  	[dreg:$0x1] =	wrdreg $0xFFFFFFFF  }
0x39: {  	_ =	task.clear_ibuf [dreg:s7], $0x2FFFF;
	_ =	strace $0x9FFFFFFF  }
0x3a: {  	(tm) =	ssettm $0x7FFFFFFF  }
0x3b: {  	_ =	shalt  }
tec
execute0_lowered:
.L_overlay_start_1:
0x0: {  	(tag) =	ssettag $0x1  }
0x1: {  	s0 =	stileid.u32;
	s6 =	rddreg [dreg:$0x0]  }
0x2: {  	s2 =	rddreg [dreg:$0x1];
	s5 =	srdreg.scid  }
0x3: {  	s31 =	simm.s32 $0x2;
	s13 =	simm.s32 $0x0;
	s1 =	sshll.u32 s0, $0x7  }
0x4: {  	s14 =	simm.s32 $0x0;
	s12 =	simm.s32 $0x0;
	s3 =	sand.u32 $0x380, s1  }
0x5: {  	s5 =	sshll.u32 s5, $0x4;
	s6 =	sadd.s32 $0x320C00, s6;
	s4 =	ssub.s32 $0x400, s3  }
0x6: {  	s1 =	rddreg [dreg:$0x2];
	_ =	strace $0x8000004A;
	s7 =	sand.u32 $0x380, s4  }
0x7: {  	s5 =	sand.u32 $0x10, s5;
	p0 =	sne.s32 s7, $0x0;
	s7 =	simm.s32 $0x1  }
.Ltmp0:
0x8: {  	s8 =	sshrl.u32 s4, $0xA;
	s7 =	simm.s32 @!p0 $0x0;
	(pc) =	sbr.rel .LBB1_1-.Ltmp0, $4  }
0x9: {  	s9 =	sor.u32 s0, s5;
	s4 =	simm.s32 $0x1;
	s30 =	sadd.s32 s7, s8  }
0xa: {  	s11 =	smov.u32 s3;
	[sflag:s4] =	ssyncpa.u1 $0x0;
	s5 =	smul.u32 $0x32, s30  }
0xb: {  	[sflag:s31] =	ssyncpa.u1 $0x0;
	p0 =	por $0x0, $0x0;
	s7 =	sshrl.u32 s9, $0x3  }
0xc: {  	s9 =	simm.s32 $0x2000;
	s10 =	smov.u32 s7;
	s8 =	sor.u32 $0x1, s5  }
.LBB1_4:
0xd: {  	s17 =	sand.u32 $0x1F80, s14;
	s13 =	sshll.u32 s13, $0xD  }
0xe: {  	[tilespmem:s16+$0x810 ss:$0x81] =	vst.msk $0xffff, v2;
	s18 =	sshrl.u32 s14, $0x3;
	s31 =	sand.u32 $0x7, s14;
	s17 =	sadd.s32 s2, s17  }
0xf: {  	[tilespmem:s16+$0x1020 ss:$0x81] =	vst.msk $0xffff, v0;
	s18 =	sand.u32 $0xF, s18;
	s14 =	sshll.u32 s31, $0x12;
	s13 =	sadd.s32 s13, s17  }
0x10: {  	[tilespmem:s16+$0x0 ss:$0x81] =	vst.msk $0xffff, v1;
	s14 =	sor.u32 $0x400, s14;
	s13 =	sadd.s32 s18, s13  }
0x11: {  	[hbm4b:s13+s14] =	stream.strided.scatter [tilespmem:s15], [sflag:$0x2], $0x2000, s9, s14, $0x20;
	[tilespmem:$0x8080] =	vst v63  }
.LBB1_5:
0x12: {  	s15 =	sadd.s32 $0x4, s10  }
0x13: {  	s13 =	sadd.s32 $0x400, s11;
	s17 =	smov.u32 s11;
	p2 =	sgt.s32 s15, $0xC7  }
0x14: {  	s17 =	smov.u32 @p2 s13  }
0x15: {  	s15 =	smov.u32 @p2 s7;
	p2 =	sgt.s32 s17, $0x3FF  }
0x16: {  	s17 =	smov.u32 @p2 s3;
	p2 =	sne.s32 s12, s8  }
.Ltmp1:
0x17: {  	p1 =	slt.u32 s12, $0x2;
	(pc) =	sbr.rel @!p2 .LBB1_6-.Ltmp1, $4  }
0x18: {  	s16 =	simm.s32 @!p1 $0x2  }
0x19: {  	s14 =	smov.u32 s11;
	p0 =	por !p0, !p0;
	_ =	swait.ge @!p1 [sflag:s16], $0x2000  }
0x1a: {  	s13 =	smov.u32 s10;
	[sflag:s16] =	ssyncset.done @!p1 $0x0;
	s10 =	smov.u32 s15  }
0x1b: {  	s12 =	sadd.s32 $0x1, s12;
	[sflag:s16] =	ssyncadd.s32 @!p1 $0xFFFFE000;
	s11 =	smov.u32 s17  }
.LBB1_1:
0x1c: {  	p1 =	sge.u32 s12, s5  }
0x1d: {  	s15 =	sand.u32 @!p1 $0x1FFFFFF, s10  }
0x1e: {  	s16 =	smulhi.u32 @!p1 $0x147AE15, s15;
	_ =	sdelay $0x1  }
0x1f: {  	s16 =	smul.u32 @!p1 $0xC8, s16  }
0x20: {  	s17 =	sxor.u32 @!p1 $0xFFFFFFFF, s12;
	s18 =	smul.u32 @!p1 $0xC80, s11  }
0x21: {  	s31 =	sadd.s32 $0xFFFFFFFF, s12;
	s17 =	sshll.u32 @!p1 s17, $0xD;
	s15 =	ssub.s32 @!p1 s15, s16  }
0x22: {  	s16 =	sand.u32 @!p1 $0x2000, s17;
	s17 =	sadd.s32 @!p1 s6, s18;
	s15 =	sshll.u32 @!p1 s15, $0x4  }
0x23: {  	s18 =	simm.s32 @!p1 $0x6400;
	s15 =	sadd.s32 @!p1 s15, s17;
	s17 =	simm.s32 @!p1 $0x40  }
0x24: {  	[tilespmem:s16], [sflag:$0x1] =	stream.strided.gather @!p1 [hbm4b:s15+s17], $0x2000, s18, s17, $0x38;
	[tilespmem:$0x8080] =	vst v63  }
0x25: {  	p1 =	sge.u32 s31, s5  }
.Ltmp2:
0x26: {  	_ = 	snop;
	(pc) =	sbr.rel @p1 .LBB1_5-.Ltmp2, $1  }
0x27: {  	_ =	sdelay $0x3  }
0x28: {  	s15 =	simm.s32 $0x1  }
0x29: {  	_ =	swait.ge [sflag:s4], $0x2000;
	s15 =	simm.s32 @!p0 $0x0  }
0x2a: {  	[sflag:s4] =	ssyncset.done $0x0;
	s16 =	sshll.u32 s15, $0xD  }
0x2b: {  	[sflag:s4] =	ssyncadd.s32 $0xFFFFE000;
	s19 =	sor.u32 $0x20, s16  }
0x2c: {  	s15 =	smul.u32 $0x8100, s15;
	v3 =	vld [tilespmem:s19+$0x10]  }
0x2d: {  	s30 =	sand.u32 $0x1, s12;
	v2 =	vld [tilespmem:s19+$0xFFFFFFF0]  }
0x2e: {  	s16 =	smul.u32 $0x8100, s30;
	s15 =	sshrl.u32 s15, $0x2;
	v0 =	vld [tilespmem:s19+$0x0]  }
0x2f: {  	v1 =	vld [tilespmem:s19+$0xFFFFFFE0];
	s17 =	sor.u32 $0x4000, s15  }
0x30: {  	s31 =	sshrl.u32 s16, $0x2;
	s16 =	sadd.s32 $0x0, s17  }
0x31: {  	s18 =	simm.s32 $0x4;
	s19 =	sadd.s32 $0x40, s19;
	s15 =	sor.u32 $0x4000, s31;
	[tilespmem:s16+$0x1830 ss:$0x81] =	vst.msk $0xffff, v3  }
.LBB1_3:
0x32: {  	v3 =	vld [tilespmem:s19+$0x10];
	p1 =	sne.s32 s18, $0x1FC;
	[tilespmem:s16+$0x810 ss:$0x81] =	vst.msk $0xffff, v2;
	s20 =	smov.u32 s18;
	s18 =	sadd.s32 $0x4, s18  }
.Ltmp3:
0x33: {  	v2 =	vld [tilespmem:s19+$0xFFFFFFF0];
	[tilespmem:s16+$0x1020 ss:$0x81] =	vst.msk $0xffff, v0;
	(pc) =	sbr.rel @p1 .LBB1_3-.Ltmp3, $4  }
0x34: {  	v0 =	vld [tilespmem:s19+$0x0];
	[tilespmem:s16+$0x0 ss:$0x81] =	vst.msk $0xffff, v1  }
0x35: {  	s16 =	sshra.s32 s20, $0x2;
	v1 =	vld [tilespmem:s19+$0xFFFFFFE0]  }
0x36: {  	s16 =	sadd.s32 s16, s17  }
0x37: {  	s19 =	sadd.s32 $0x40, s19;
	[tilespmem:s16+$0x1830 ss:$0x81] =	vst.msk $0xffff, v3  }
.Ltmp4:
0x38: {  	_ = 	snop;
	(pc) =	sbr.rel .LBB1_4-.Ltmp4, $1  }
0x39: {  	_ =	sdelay $0x3  }
.LBB1_6:
0x3a: {  	_ =	sfence.sel $0x180000  }
0x3b: {  	s2 =	simm.s32 $0x1;
	[bflag:$0x0] =	sbarrier.arrive $0xFFFF  }
0x3c: {  	s31 =	simm.s32 $0x2;
	[sflag:s2] =	ssyncpa.u1 $0x1  }
0x3d: {  	[sflag:s31] =	ssyncpa.u1 $0x1  }
0x3e: {  	p0 =	sne.s32 s0, $0x0;
	_ =	strace $0x9000004A  }
0x3f: {  	s0 =	sadd.s32 @!p0 $0x100000, s1;
	[bflag:$0x2] =	sbarrier.arrive $0xFFFF  }
0x40: {  	[sflag:s0] =	ssyncadd.tile.s32 @!p0 $0x1;
	_ =	shalt  }
.Lfunc_end1:
_tile_overlayer_lowered:
.L_overlay_start_2:
0x41: {  	(tag) =	ssettag $0x2  }
0x42: {  	s0 =	rddreg [dreg:$0x0];
	s2 =	stileid.u32  }
0x43: {  	s1 =	rddreg [dreg:$0x1];
	p0 =	sne.s32 s2, $0x0  }
0x44: {  	s3 =	rddreg [dreg:$0x2];
	[bflag:$0x3] =	sbarrier.arrive $0xFFFF;
	s2 =	simm.s32 @!p0 $0x1C01  }
0x45: {  	[timem:s3], [sflag:s2] =	dma.local @!p0 [hbm:s0], s1  }
0x46: {  	s0 =	simm.s32 @!p0 $0x1  }
0x47: {  	_ =	swait.ge @!p0 [sflag:s0], s1  }
0x48: {  	s1 =	ssub.s32 @!p0 $0x0, s1;
	[sflag:s0] =	ssyncset.done @!p0 $0x0  }
0x49: {  	[sflag:s0] =	ssyncadd.s32 @!p0 s1  }
0x4a: {  	[bflag:$0x3] =	sbarrier.arrive $0xFFFF  }
0x4b: {  	_ =	shalt  }

</sc_bundles>
